<compile_context>
chip_gen: v7x
topology: tpu7x:2x2x1
jax: 0.10.2.dev20260603
libtpu: 0.0.44.dev20260713+nightly
codegen_flags: <defaults>
</compile_context>

<pallas_src>
import jax
import jax.numpy as jnp
from jax import lax
from jax.experimental import pallas as pl
from jax.experimental.pallas import tpu as pltpu, tpu_sc as plsc


def _sc_adj_body(ei_hbm, at_hbm, row_v, col_v, at_v, sem_r, sem_c):
    cid = lax.axis_index("c")
    sid = lax.axis_index("s")
    n = at_v.shape[0]
    e = ei_hbm.shape[1]

    @pl.when(jnp.logical_and(cid == 0, sid == 0))
    def _():
        cp_r = pltpu.async_copy(ei_hbm.at[0], row_v, sem_r)
        cp_c = pltpu.async_copy(ei_hbm.at[1], col_v, sem_c)
        zeros = jnp.zeros((16,), jnp.float32)
        for i in range(n):
            at_v[i, pl.ds(0, 16)] = zeros
            at_v[i, pl.ds(n - 16, 16)] = zeros
        cp_r.wait()
        cp_c.wait()
        ones = jnp.ones((16,), jnp.float32)
        lane = lax.iota(jnp.int32, 16)
        for i in range((e + 15) // 16):
            base = i * 16
            rem = e - base
            if rem >= 16:
                r = row_v[pl.ds(base, 16)]
                c = col_v[pl.ds(base, 16)]
                plsc.store_scatter(at_v, [c, r], ones)
            else:
                r = row_v[pl.ds(e - 16, 16)]
                c = col_v[pl.ds(e - 16, 16)]
                mask = lane >= (16 - rem)
                plsc.store_scatter(at_v, [c, r], ones, mask=mask)
        pltpu.sync_copy(at_v, at_hbm)


def _sc_adjacency(edge_index, n):
    e = edge_index.shape[1]
    mesh = plsc.VectorSubcoreMesh(core_axis_name="c", subcore_axis_name="s",
                                  num_cores=1)
    return pl.kernel(
        _sc_adj_body,
        out_type=jax.ShapeDtypeStruct((n, n), jnp.float32),
        mesh=mesh,
        compiler_params=pltpu.CompilerParams(needs_layout_passes=False),
        scratch_types=[
            pltpu.VMEM((e,), jnp.int32),
            pltpu.VMEM((e,), jnp.int32),
            pltpu.VMEM((n, n), jnp.float32),
            pltpu.SemaphoreType.DMA,
            pltpu.SemaphoreType.DMA,
        ],
    )(edge_index)


def _tc_h_body(x_ref, w1_ref, w2_ref, h_ref, w2n_ref):
    w1 = w1_ref[...]
    norm1 = jnp.sqrt(jnp.sum(w1 * w1, axis=0, keepdims=True))
    scale1 = jnp.where(norm1 > 1.0, 1.0 / (norm1 + 1e-7), 1.0)
    h_ref[...] = lax.dot_general(
        x_ref[...] * scale1, w1, (((1,), (1,)), ((), ())),
        preferred_element_type=jnp.float32,
    )
    w2 = w2_ref[...]
    norm2 = jnp.sqrt(jnp.sum(w2 * w2, axis=1, keepdims=True))
    scale2 = jnp.where(norm2 > 0.5, 0.5 / (norm2 + 1e-7), 1.0)
    w2n_ref[...] = w2 * scale2


def _tc_out_body(at_ref, h_ref, b1_ref, w2n_ref, b2_ref, y_ref):
    at = at_ref[...]
    deg = jnp.sum(at, axis=1, keepdims=True)
    dinv = jnp.where(deg > 0.0, lax.rsqrt(deg), 0.0)
    hs = h_ref[...] * dinv
    agg = lax.dot_general(
        at, hs, (((1,), (0,)), ((), ())),
        preferred_element_type=jnp.float32,
    ) * dinv
    a = agg + b1_ref[...]
    out = jnp.where(a > 0.0, a, jnp.exp(jnp.minimum(a, 0.0)) - 1.0)
    y_ref[...] = lax.dot_general(
        out, w2n_ref[...], (((1,), (1,)), ((), ())),
        preferred_element_type=jnp.float32,
    ) + b2_ref[...]


def kernel(x, W1, b1, W2, b2, edge_index):
    n = x.shape[0]
    at = _sc_adjacency(edge_index.astype(jnp.int32), n)
    h, w2n = pl.pallas_call(
        _tc_h_body,
        out_shape=[
            jax.ShapeDtypeStruct((n, W1.shape[0]), jnp.float32),
            jax.ShapeDtypeStruct(W2.shape, jnp.float32),
        ],
    )(x, W1, W2)
    return pl.pallas_call(
        _tc_out_body,
        out_shape=jax.ShapeDtypeStruct((n, W2.shape[0]), jnp.float32),
    )(at, h, b1.reshape(1, -1), w2n, b2.reshape(1, -1))

# --- scband reference (transcript-rebuilt; emitter-appended) ---
"""Pipeline reference for scband-gcconv-inception-12970801234374 (READ-ONLY COPY).

The authoritative reference and input builder live on the scoring server;
editing this copy changes nothing except your own understanding.
"""

import jax, jax.numpy as jnp
import numpy as np


def _build_edge_index():
    channel_positions = {1: (0, 7), 2: (-7, 3.5), 3: (-3.5, 3.5), 4: (0, 3.5), 5: (3.5, 3.5), 6: (7, 3.5), 7: (-10.5, 0), 8: (-7, 0), 9: (-3.5, 0), 10: (0, 0), 11: (3.5, 0), 12: (7, 0), 13: (10.5, 0), 14: (-7, -3.5), 15: (-3.5, -3.5), 16: (0, -3.5), 17: (3.5, -3.5), 18: (7, -3.5), 19: (-3.5, -7), 20: (0, -7), 21: (3.5, -7), 22: (0, -10.5)}
    coords = np.array([channel_positions[i + 1] for i in range(22)])
    n = coords.shape[0]
    adj = np.zeros((n, n))
    for i in range(n):
        for j in range(n):
            if i != j:
                dist = np.sqrt((coords[i, 0] - coords[j, 0]) ** 2 + (coords[i, 1] - coords[j, 1]) ** 2)
                if dist < 5:
                    adj[i, j] = 1
    np.fill_diagonal(adj, 1)
    ei = np.column_stack(np.where(adj == 1)).T  # [2, E], row=src, col=dst
    return jnp.asarray(ei, dtype=jnp.int32)


def _renorm_cols(W, maxnorm):
    # torch.renorm(W, p=2, dim=1, maxnorm): each column (slice along dim 1) has 2-norm <= maxnorm
    norms = jnp.sqrt(jnp.sum(W * W, axis=0))
    scale = jnp.where(norms > maxnorm, maxnorm / (norms + 1e-7), 1.0)
    return W * scale[None, :]


def _renorm_rows(W, maxnorm):
    # torch.renorm(W, p=2, dim=0, maxnorm): each row has 2-norm <= maxnorm
    norms = jnp.sqrt(jnp.sum(W * W, axis=1))
    scale = jnp.where(norms > maxnorm, maxnorm / (norms + 1e-7), 1.0)
    return W * scale[:, None]


def setup_inputs(seed: int = 0) -> dict:
    key = jax.random.key(seed)
    k1, k2, k3 = jax.random.split(key, 3)
    x = jax.random.normal(k1, (22, 1000), dtype=jnp.float32)
    W1 = jax.random.normal(k2, (256, 1000), dtype=jnp.float32) * 0.03  # GCNConv.lin.weight [out, in]
    b1 = jnp.zeros((256,), dtype=jnp.float32)                          # GCNConv.bias
    W2 = jax.random.normal(k3, (64, 256), dtype=jnp.float32) * 0.05    # LinearWithConstraint.weight
    b2 = jnp.zeros((64,), dtype=jnp.float32)
    edge_index = _build_edge_index()
    return {"x": x, "W1": W1, "b1": b1, "W2": W2, "b2": b2, "edge_index": edge_index}


def reference(x, W1, b1, W2, b2, edge_index):
    N = x.shape[0]
    # GCNConvWithConstraint: renorm weight (p=2, dim=1, maxnorm=1) then GCNConv
    W1n = _renorm_cols(W1, 1.0)
    h = x @ W1n.T  # lin (no bias inside lin)
    row = edge_index[0]
    col = edge_index[1]
    # gcn_norm with self-loops: edge_index already contains all self loops (diag filled),
    # add_remaining_self_loops adds none. edge_weight = 1.
    deg = jnp.zeros((N,), dtype=h.dtype).at[col].add(1.0)
    dinv = jnp.where(deg > 0, deg ** -0.5, 0.0)
    norm = dinv[row] * dinv[col]
    agg = jnp.zeros((N, h.shape[1]), dtype=h.dtype).at[col].add(norm[:, None] * h[row])
    out = agg + b1
    out = jax.nn.elu(out)
    # dropout p=0.5: identity in eval mode
    W2n = _renorm_rows(W2, 0.5)
    y = out @ W2n.T + b2
    return y

if __name__ == "__main__":
    import jax
    _d = setup_inputs()
    print(jax.jit(kernel)(*tuple(_d.values())))

</pallas_src>

<mosaic_0001>
#map = affine_map<(d0, d1) -> (0, 0)>
module attributes {stable_mosaic.version = 14 : i64} {
  func.func @_sc_adj_body(%arg0: i32, %arg1: i32, %arg2: memref<2x144xi32, #tpu.memory_space<hbm>>, %arg3: memref<22x22xf32, #tpu.memory_space<hbm>>, %arg4: memref<144xi32, #tpu.memory_space<vmem>>, %arg5: memref<144xi32, #tpu.memory_space<vmem>>, %arg6: memref<22x22xf32, #tpu.memory_space<vmem>>, %arg7: memref<!tpu.dma_semaphore, #tpu.memory_space<semaphore_mem>>, %arg8: memref<!tpu.dma_semaphore, #tpu.memory_space<semaphore_mem>>) attributes {dimension_semantics = [#tpu.dimension_semantics<core_parallel>, #tpu.dimension_semantics<subcore_parallel>], iteration_bounds = array<i64: 1, 16>, scalar_prefetch = 0 : i64, scratch_operands = 5 : i64, tpu.core_type = #tpu.core_type<sc_vector_subcore>, window_params = [{transform_indices = #map}, {transform_indices = #map}]} {
    %eq3A = arith.constant 0 : i32
    %eq3A_0 = arith.cmpi eq, %arg0, %eq3A : i32
    %eq3A_1 = arith.constant 0 : i32
    %eq3A_2 = arith.cmpi eq, %arg1, %eq3A_1 : i32
    %and3A = arith.andi %eq3A_0, %eq3A_2 : i1
    %convert_element_type3A = arith.extui %and3A : i1 to i32
    %cond3A = arith.constant 0 : i32
    %cond3A_3 = arith.cmpi ne, %convert_element_type3A, %cond3A : i32
    scf.if %cond3A_3 {
      %dma_start3A = arith.constant 0 : i32
      %dma_start3A_4 = arith.constant 0 : i32
      %dma_start3A_5 = tpu.memref_slice %arg2[%dma_start3A, %dma_start3A_4] : memref<2x144xi32, #tpu.memory_space<hbm>> -> memref<1x144xi32, #tpu.memory_space<hbm>>
      %dma_start3A_6 = tpu.memref_squeeze %dma_start3A_5 : memref<1x144xi32, #tpu.memory_space<hbm>> -> memref<144xi32, #tpu.memory_space<hbm>>
      %dma_start3A_7 = arith.constant 0 : i32
      %dma_start3A_8 = tpu.memref_slice %arg2[%dma_start3A, %dma_start3A_7] : memref<2x144xi32, #tpu.memory_space<hbm>> -> memref<1x144xi32, #tpu.memory_space<hbm>>
      %dma_start3A_9 = tpu.memref_squeeze %dma_start3A_8 : memref<1x144xi32, #tpu.memory_space<hbm>> -> memref<144xi32, #tpu.memory_space<hbm>>
      tpu.enqueue_dma source(%dma_start3A_9 : memref<144xi32, #tpu.memory_space<hbm>>) target(%arg4 : memref<144xi32, #tpu.memory_space<vmem>>) target_semaphore(%arg7 : memref<!tpu.dma_semaphore, #tpu.memory_space<semaphore_mem>>)
      %dma_start3A_10 = arith.constant 1 : i32
      %dma_start3A_11 = arith.constant 0 : i32
      %dma_start3A_12 = tpu.memref_slice %arg2[%dma_start3A_10, %dma_start3A_11] : memref<2x144xi32, #tpu.memory_space<hbm>> -> memref<1x144xi32, #tpu.memory_space<hbm>>
      %dma_start3A_13 = tpu.memref_squeeze %dma_start3A_12 : memref<1x144xi32, #tpu.memory_space<hbm>> -> memref<144xi32, #tpu.memory_space<hbm>>
      %dma_start3A_14 = arith.constant 0 : i32
      %dma_start3A_15 = tpu.memref_slice %arg2[%dma_start3A_10, %dma_start3A_14] : memref<2x144xi32, #tpu.memory_space<hbm>> -> memref<1x144xi32, #tpu.memory_space<hbm>>
      %dma_start3A_16 = tpu.memref_squeeze %dma_start3A_15 : memref<1x144xi32, #tpu.memory_space<hbm>> -> memref<144xi32, #tpu.memory_space<hbm>>
      tpu.enqueue_dma source(%dma_start3A_16 : memref<144xi32, #tpu.memory_space<hbm>>) target(%arg5 : memref<144xi32, #tpu.memory_space<vmem>>) target_semaphore(%arg8 : memref<!tpu.dma_semaphore, #tpu.memory_space<semaphore_mem>>)
      %broadcast_in_dim3A = arith.constant 0.000000e+00 : f32
      %broadcast_in_dim3A_17 = vector.broadcast %broadcast_in_dim3A : f32 to vector<16xf32>
      %swap3A = arith.constant 0 : i32
      %swap3A_18 = arith.index_cast %swap3A : i32 to index
      %swap3A_19 = arith.constant 0 : index
      %swap3A_20 = tpu.vector_load %arg6[%swap3A_18, %swap3A_19] {strides = array<i32>} : memref<22x22xf32, #tpu.memory_space<vmem>>, vector<16xf32>,
      tpu.vector_store %arg6[%swap3A_18, %swap3A_19], %broadcast_in_dim3A_17 {strides = array<i32>} : memref<22x22xf32, #tpu.memory_space<vmem>>, vector<16xf32>,
      %swap3A_21 = arith.constant 0 : i32
      %swap3A_22 = arith.index_cast %swap3A_21 : i32 to index
      %swap3A_23 = arith.constant 6 : index
      %swap3A_24 = tpu.vector_load %arg6[%swap3A_22, %swap3A_23] {strides = array<i32>} : memref<22x22xf32, #tpu.memory_space<vmem>>, vector<16xf32>,
      tpu.vector_store %arg6[%swap3A_22, %swap3A_23], %broadcast_in_dim3A_17 {strides = array<i32>} : memref<22x22xf32, #tpu.memory_space<vmem>>, vector<16xf32>,
      %swap3A_25 = arith.constant 1 : i32
      %swap3A_26 = arith.index_cast %swap3A_25 : i32 to index
      %swap3A_27 = arith.constant 0 : index
      %swap3A_28 = tpu.vector_load %arg6[%swap3A_26, %swap3A_27] {strides = array<i32>} : memref<22x22xf32, #tpu.memory_space<vmem>>, vector<16xf32>,
      tpu.vector_store %arg6[%swap3A_26, %swap3A_27], %broadcast_in_dim3A_17 {strides = array<i32>} : memref<22x22xf32, #tpu.memory_space<vmem>>, vector<16xf32>,
      %swap3A_29 = arith.constant 1 : i32
      %swap3A_30 = arith.index_cast %swap3A_29 : i32 to index
      %swap3A_31 = arith.constant 6 : index
      %swap3A_32 = tpu.vector_load %arg6[%swap3A_30, %swap3A_31] {strides = array<i32>} : memref<22x22xf32, #tpu.memory_space<vmem>>, vector<16xf32>,
      tpu.vector_store %arg6[%swap3A_30, %swap3A_31], %broadcast_in_dim3A_17 {strides = array<i32>} : memref<22x22xf32, #tpu.memory_space<vmem>>, vector<16xf32>,
      %swap3A_33 = arith.constant 2 : i32
      %swap3A_34 = arith.index_cast %swap3A_33 : i32 to index
      %swap3A_35 = arith.constant 0 : index
      %swap3A_36 = tpu.vector_load %arg6[%swap3A_34, %swap3A_35] {strides = array<i32>} : memref<22x22xf32, #tpu.memory_space<vmem>>, vector<16xf32>,
      tpu.vector_store %arg6[%swap3A_34, %swap3A_35], %broadcast_in_dim3A_17 {strides = array<i32>} : memref<22x22xf32, #tpu.memory_space<vmem>>, vector<16xf32>,
      %swap3A_37 = arith.constant 2 : i32
      %swap3A_38 = arith.index_cast %swap3A_37 : i32 to index
      %swap3A_39 = arith.constant 6 : index
      %swap3A_40 = tpu.vector_load %arg6[%swap3A_38, %swap3A_39] {strides = array<i32>} : memref<22x22xf32, #tpu.memory_space<vmem>>, vector<16xf32>,
      tpu.vector_store %arg6[%swap3A_38, %swap3A_39], %broadcast_in_dim3A_17 {strides = array<i32>} : memref<22x22xf32, #tpu.memory_space<vmem>>, vector<16xf32>,
      %swap3A_41 = arith.constant 3 : i32
      %swap3A_42 = arith.index_cast %swap3A_41 : i32 to index
      %swap3A_43 = arith.constant 0 : index
      %swap3A_44 = tpu.vector_load %arg6[%swap3A_42, %swap3A_43] {strides = array<i32>} : memref<22x22xf32, #tpu.memory_space<vmem>>, vector<16xf32>,
      tpu.vector_store %arg6[%swap3A_42, %swap3A_43], %broadcast_in_dim3A_17 {strides = array<i32>} : memref<22x22xf32, #tpu.memory_space<vmem>>, vector<16xf32>,
      %swap3A_45 = arith.constant 3 : i32
      %swap3A_46 = arith.index_cast %swap3A_45 : i32 to index
      %swap3A_47 = arith.constant 6 : index
      %swap3A_48 = tpu.vector_load %arg6[%swap3A_46, %swap3A_47] {strides = array<i32>} : memref<22x22xf32, #tpu.memory_space<vmem>>, vector<16xf32>,
      tpu.vector_store %arg6[%swap3A_46, %swap3A_47], %broadcast_in_dim3A_17 {strides = array<i32>} : memref<22x22xf32, #tpu.memory_space<vmem>>, vector<16xf32>,
      %swap3A_49 = arith.constant 4 : i32
      %swap3A_50 = arith.index_cast %swap3A_49 : i32 to index
      %swap3A_51 = arith.constant 0 : index
      %swap3A_52 = tpu.vector_load %arg6[%swap3A_50, %swap3A_51] {strides = array<i32>} : memref<22x22xf32, #tpu.memory_space<vmem>>, vector<16xf32>,
      tpu.vector_store %arg6[%swap3A_50, %swap3A_51], %broadcast_in_dim3A_17 {strides = array<i32>} : memref<22x22xf32, #tpu.memory_space<vmem>>, vector<16xf32>,
      %swap3A_53 = arith.constant 4 : i32
      %swap3A_54 = arith.index_cast %swap3A_53 : i32 to index
      %swap3A_55 = arith.constant 6 : index
      %swap3A_56 = tpu.vector_load %arg6[%swap3A_54, %swap3A_55] {strides = array<i32>} : memref<22x22xf32, #tpu.memory_space<vmem>>, vector<16xf32>,
      tpu.vector_store %arg6[%swap3A_54, %swap3A_55], %broadcast_in_dim3A_17 {strides = array<i32>} : memref<22x22xf32, #tpu.memory_space<vmem>>, vector<16xf32>,
      %swap3A_57 = arith.constant 5 : i32
      %swap3A_58 = arith.index_cast %swap3A_57 : i32 to index
      %swap3A_59 = arith.constant 0 : index
      %swap3A_60 = tpu.vector_load %arg6[%swap3A_58, %swap3A_59] {strides = array<i32>} : memref<22x22xf32, #tpu.memory_space<vmem>>, vector<16xf32>,
      tpu.vector_store %arg6[%swap3A_58, %swap3A_59], %broadcast_in_dim3A_17 {strides = array<i32>} : memref<22x22xf32, #tpu.memory_space<vmem>>, vector<16xf32>,
      %swap3A_61 = arith.constant 5 : i32
      %swap3A_62 = arith.index_cast %swap3A_61 : i32 to index
      %swap3A_63 = arith.constant 6 : index
      %swap3A_64 = tpu.vector_load %arg6[%swap3A_62, %swap3A_63] {strides = array<i32>} : memref<22x22xf32, #tpu.memory_space<vmem>>, vector<16xf32>,
      tpu.vector_store %arg6[%swap3A_62, %swap3A_63], %broadcast_in_dim3A_17 {strides = array<i32>} : memref<22x22xf32, #tpu.memory_space<vmem>>, vector<16xf32>,
      %swap3A_65 = arith.constant 6 : i32
      %swap3A_66 = arith.index_cast %swap3A_65 : i32 to index
      %swap3A_67 = arith.constant 0 : index
      %swap3A_68 = tpu.vector_load %arg6[%swap3A_66, %swap3A_67] {strides = array<i32>} : memref<22x22xf32, #tpu.memory_space<vmem>>, vector<16xf32>,
      tpu.vector_store %arg6[%swap3A_66, %swap3A_67], %broadcast_in_dim3A_17 {strides = array<i32>} : memref<22x22xf32, #tpu.memory_space<vmem>>, vector<16xf32>,
      %swap3A_69 = arith.constant 6 : i32
      %swap3A_70 = arith.index_cast %swap3A_69 : i32 to index
      %swap3A_71 = arith.constant 6 : index
      %swap3A_72 = tpu.vector_load %arg6[%swap3A_70, %swap3A_71] {strides = array<i32>} : memref<22x22xf32, #tpu.memory_space<vmem>>, vector<16xf32>,
      tpu.vector_store %arg6[%swap3A_70, %swap3A_71], %broadcast_in_dim3A_17 {strides = array<i32>} : memref<22x22xf32, #tpu.memory_space<vmem>>, vector<16xf32>,
      %swap3A_73 = arith.constant 7 : i32
      %swap3A_74 = arith.index_cast %swap3A_73 : i32 to index
      %swap3A_75 = arith.constant 0 : index
      %swap3A_76 = tpu.vector_load %arg6[%swap3A_74, %swap3A_75] {strides = array<i32>} : memref<22x22xf32, #tpu.memory_space<vmem>>, vector<16xf32>,
      tpu.vector_store %arg6[%swap3A_74, %swap3A_75], %broadcast_in_dim3A_17 {strides = array<i32>} : memref<22x22xf32, #tpu.memory_space<vmem>>, vector<16xf32>,
      %swap3A_77 = arith.constant 7 : i32
      %swap3A_78 = arith.index_cast %swap3A_77 : i32 to index
      %swap3A_79 = arith.constant 6 : index
      %swap3A_80 = tpu.vector_load %arg6[%swap3A_78, %swap3A_79] {strides = array<i32>} : memref<22x22xf32, #tpu.memory_space<vmem>>, vector<16xf32>,
      tpu.vector_store %arg6[%swap3A_78, %swap3A_79], %broadcast_in_dim3A_17 {strides = array<i32>} : memref<22x22xf32, #tpu.memory_space<vmem>>, vector<16xf32>,
      %swap3A_81 = arith.constant 8 : i32
      %swap3A_82 = arith.index_cast %swap3A_81 : i32 to index
      %swap3A_83 = arith.constant 0 : index
      %swap3A_84 = tpu.vector_load %arg6[%swap3A_82, %swap3A_83] {strides = array<i32>} : memref<22x22xf32, #tpu.memory_space<vmem>>, vector<16xf32>,
      tpu.vector_store %arg6[%swap3A_82, %swap3A_83], %broadcast_in_dim3A_17 {strides = array<i32>} : memref<22x22xf32, #tpu.memory_space<vmem>>, vector<16xf32>,
      %swap3A_85 = arith.constant 8 : i32
      %swap3A_86 = arith.index_cast %swap3A_85 : i32 to index
      %swap3A_87 = arith.constant 6 : index
      %swap3A_88 = tpu.vector_load %arg6[%swap3A_86, %swap3A_87] {strides = array<i32>} : memref<22x22xf32, #tpu.memory_space<vmem>>, vector<16xf32>,
      tpu.vector_store %arg6[%swap3A_86, %swap3A_87], %broadcast_in_dim3A_17 {strides = array<i32>} : memref<22x22xf32, #tpu.memory_space<vmem>>, vector<16xf32>,
      %swap3A_89 = arith.constant 9 : i32
      %swap3A_90 = arith.index_cast %swap3A_89 : i32 to index
      %swap3A_91 = arith.constant 0 : index
      %swap3A_92 = tpu.vector_load %arg6[%swap3A_90, %swap3A_91] {strides = array<i32>} : memref<22x22xf32, #tpu.memory_space<vmem>>, vector<16xf32>,
      tpu.vector_store %arg6[%swap3A_90, %swap3A_91], %broadcast_in_dim3A_17 {strides = array<i32>} : memref<22x22xf32, #tpu.memory_space<vmem>>, vector<16xf32>,
      %swap3A_93 = arith.constant 9 : i32
      %swap3A_94 = arith.index_cast %swap3A_93 : i32 to index
      %swap3A_95 = arith.constant 6 : index
      %swap3A_96 = tpu.vector_load %arg6[%swap3A_94, %swap3A_95] {strides = array<i32>} : memref<22x22xf32, #tpu.memory_space<vmem>>, vector<16xf32>,
      tpu.vector_store %arg6[%swap3A_94, %swap3A_95], %broadcast_in_dim3A_17 {strides = array<i32>} : memref<22x22xf32, #tpu.memory_space<vmem>>, vector<16xf32>,
      %swap3A_97 = arith.constant 10 : i32
      %swap3A_98 = arith.index_cast %swap3A_97 : i32 to index
      %swap3A_99 = arith.constant 0 : index
      %swap3A_100 = tpu.vector_load %arg6[%swap3A_98, %swap3A_99] {strides = array<i32>} : memref<22x22xf32, #tpu.memory_space<vmem>>, vector<16xf32>,
      tpu.vector_store %arg6[%swap3A_98, %swap3A_99], %broadcast_in_dim3A_17 {strides = array<i32>} : memref<22x22xf32, #tpu.memory_space<vmem>>, vector<16xf32>,
      %swap3A_101 = arith.constant 10 : i32
      %swap3A_102 = arith.index_cast %swap3A_101 : i32 to index
      %swap3A_103 = arith.constant 6 : index
      %swap3A_104 = tpu.vector_load %arg6[%swap3A_102, %swap3A_103] {strides = array<i32>} : memref<22x22xf32, #tpu.memory_space<vmem>>, vector<16xf32>,
      tpu.vector_store %arg6[%swap3A_102, %swap3A_103], %broadcast_in_dim3A_17 {strides = array<i32>} : memref<22x22xf32, #tpu.memory_space<vmem>>, vector<16xf32>,
      %swap3A_105 = arith.constant 11 : i32
      %swap3A_106 = arith.index_cast %swap3A_105 : i32 to index
      %swap3A_107 = arith.constant 0 : index
      %swap3A_108 = tpu.vector_load %arg6[%swap3A_106, %swap3A_107] {strides = array<i32>} : memref<22x22xf32, #tpu.memory_space<vmem>>, vector<16xf32>,
      tpu.vector_store %arg6[%swap3A_106, %swap3A_107], %broadcast_in_dim3A_17 {strides = array<i32>} : memref<22x22xf32, #tpu.memory_space<vmem>>, vector<16xf32>,
      %swap3A_109 = arith.constant 11 : i32
      %swap3A_110 = arith.index_cast %swap3A_109 : i32 to index
      %swap3A_111 = arith.constant 6 : index
      %swap3A_112 = tpu.vector_load %arg6[%swap3A_110, %swap3A_111] {strides = array<i32>} : memref<22x22xf32, #tpu.memory_space<vmem>>, vector<16xf32>,
      tpu.vector_store %arg6[%swap3A_110, %swap3A_111], %broadcast_in_dim3A_17 {strides = array<i32>} : memref<22x22xf32, #tpu.memory_space<vmem>>, vector<16xf32>,
      %swap3A_113 = arith.constant 12 : i32
      %swap3A_114 = arith.index_cast %swap3A_113 : i32 to index
      %swap3A_115 = arith.constant 0 : index
      %swap3A_116 = tpu.vector_load %arg6[%swap3A_114, %swap3A_115] {strides = array<i32>} : memref<22x22xf32, #tpu.memory_space<vmem>>, vector<16xf32>,
      tpu.vector_store %arg6[%swap3A_114, %swap3A_115], %broadcast_in_dim3A_17 {strides = array<i32>} : memref<22x22xf32, #tpu.memory_space<vmem>>, vector<16xf32>,
      %swap3A_117 = arith.constant 12 : i32
      %swap3A_118 = arith.index_cast %swap3A_117 : i32 to index
      %swap3A_119 = arith.constant 6 : index
      %swap3A_120 = tpu.vector_load %arg6[%swap3A_118, %swap3A_119] {strides = array<i32>} : memref<22x22xf32, #tpu.memory_space<vmem>>, vector<16xf32>,
      tpu.vector_store %arg6[%swap3A_118, %swap3A_119], %broadcast_in_dim3A_17 {strides = array<i32>} : memref<22x22xf32, #tpu.memory_space<vmem>>, vector<16xf32>,
      %swap3A_121 = arith.constant 13 : i32
      %swap3A_122 = arith.index_cast %swap3A_121 : i32 to index
      %swap3A_123 = arith.constant 0 : index
      %swap3A_124 = tpu.vector_load %arg6[%swap3A_122, %swap3A_123] {strides = array<i32>} : memref<22x22xf32, #tpu.memory_space<vmem>>, vector<16xf32>,
      tpu.vector_store %arg6[%swap3A_122, %swap3A_123], %broadcast_in_dim3A_17 {strides = array<i32>} : memref<22x22xf32, #tpu.memory_space<vmem>>, vector<16xf32>,
      %swap3A_125 = arith.constant 13 : i32
      %swap3A_126 = arith.index_cast %swap3A_125 : i32 to index
      %swap3A_127 = arith.constant 6 : index
      %swap3A_128 = tpu.vector_load %arg6[%swap3A_126, %swap3A_127] {strides = array<i32>} : memref<22x22xf32, #tpu.memory_space<vmem>>, vector<16xf32>,
      tpu.vector_store %arg6[%swap3A_126, %swap3A_127], %broadcast_in_dim3A_17 {strides = array<i32>} : memref<22x22xf32, #tpu.memory_space<vmem>>, vector<16xf32>,
      %swap3A_129 = arith.constant 14 : i32
      %swap3A_130 = arith.index_cast %swap3A_129 : i32 to index
      %swap3A_131 = arith.constant 0 : index
      %swap3A_132 = tpu.vector_load %arg6[%swap3A_130, %swap3A_131] {strides = array<i32>} : memref<22x22xf32, #tpu.memory_space<vmem>>, vector<16xf32>,
      tpu.vector_store %arg6[%swap3A_130, %swap3A_131], %broadcast_in_dim3A_17 {strides = array<i32>} : memref<22x22xf32, #tpu.memory_space<vmem>>, vector<16xf32>,
      %swap3A_133 = arith.constant 14 : i32
      %swap3A_134 = arith.index_cast %swap3A_133 : i32 to index
      %swap3A_135 = arith.constant 6 : index
      %swap3A_136 = tpu.vector_load %arg6[%swap3A_134, %swap3A_135] {strides = array<i32>} : memref<22x22xf32, #tpu.memory_space<vmem>>, vector<16xf32>,
      tpu.vector_store %arg6[%swap3A_134, %swap3A_135], %broadcast_in_dim3A_17 {strides = array<i32>} : memref<22x22xf32, #tpu.memory_space<vmem>>, vector<16xf32>,
      %swap3A_137 = arith.constant 15 : i32
      %swap3A_138 = arith.index_cast %swap3A_137 : i32 to index
      %swap3A_139 = arith.constant 0 : index
      %swap3A_140 = tpu.vector_load %arg6[%swap3A_138, %swap3A_139] {strides = array<i32>} : memref<22x22xf32, #tpu.memory_space<vmem>>, vector<16xf32>,
      tpu.vector_store %arg6[%swap3A_138, %swap3A_139], %broadcast_in_dim3A_17 {strides = array<i32>} : memref<22x22xf32, #tpu.memory_space<vmem>>, vector<16xf32>,
      %swap3A_141 = arith.constant 15 : i32
      %swap3A_142 = arith.index_cast %swap3A_141 : i32 to index
      %swap3A_143 = arith.constant 6 : index
      %swap3A_144 = tpu.vector_load %arg6[%swap3A_142, %swap3A_143] {strides = array<i32>} : memref<22x22xf32, #tpu.memory_space<vmem>>, vector<16xf32>,
      tpu.vector_store %arg6[%swap3A_142, %swap3A_143], %broadcast_in_dim3A_17 {strides = array<i32>} : memref<22x22xf32, #tpu.memory_space<vmem>>, vector<16xf32>,
      %swap3A_145 = arith.constant 16 : i32
      %swap3A_146 = arith.index_cast %swap3A_145 : i32 to index
      %swap3A_147 = arith.constant 0 : index
      %swap3A_148 = tpu.vector_load %arg6[%swap3A_146, %swap3A_147] {strides = array<i32>} : memref<22x22xf32, #tpu.memory_space<vmem>>, vector<16xf32>,
      tpu.vector_store %arg6[%swap3A_146, %swap3A_147], %broadcast_in_dim3A_17 {strides = array<i32>} : memref<22x22xf32, #tpu.memory_space<vmem>>, vector<16xf32>,
      %swap3A_149 = arith.constant 16 : i32
      %swap3A_150 = arith.index_cast %swap3A_149 : i32 to index
      %swap3A_151 = arith.constant 6 : index
      %swap3A_152 = tpu.vector_load %arg6[%swap3A_150, %swap3A_151] {strides = array<i32>} : memref<22x22xf32, #tpu.memory_space<vmem>>, vector<16xf32>,
      tpu.vector_store %arg6[%swap3A_150, %swap3A_151], %broadcast_in_dim3A_17 {strides = array<i32>} : memref<22x22xf32, #tpu.memory_space<vmem>>, vector<16xf32>,
      %swap3A_153 = arith.constant 17 : i32
      %swap3A_154 = arith.index_cast %swap3A_153 : i32 to index
      %swap3A_155 = arith.constant 0 : index
      %swap3A_156 = tpu.vector_load %arg6[%swap3A_154, %swap3A_155] {strides = array<i32>} : memref<22x22xf32, #tpu.memory_space<vmem>>, vector<16xf32>,
      tpu.vector_store %arg6[%swap3A_154, %swap3A_155], %broadcast_in_dim3A_17 {strides = array<i32>} : memref<22x22xf32, #tpu.memory_space<vmem>>, vector<16xf32>,
      %swap3A_157 = arith.constant 17 : i32
      %swap3A_158 = arith.index_cast %swap3A_157 : i32 to index
      %swap3A_159 = arith.constant 6 : index
      %swap3A_160 = tpu.vector_load %arg6[%swap3A_158, %swap3A_159] {strides = array<i32>} : memref<22x22xf32, #tpu.memory_space<vmem>>, vector<16xf32>,
      tpu.vector_store %arg6[%swap3A_158, %swap3A_159], %broadcast_in_dim3A_17 {strides = array<i32>} : memref<22x22xf32, #tpu.memory_space<vmem>>, vector<16xf32>,
      %swap3A_161 = arith.constant 18 : i32
      %swap3A_162 = arith.index_cast %swap3A_161 : i32 to index
      %swap3A_163 = arith.constant 0 : index
      %swap3A_164 = tpu.vector_load %arg6[%swap3A_162, %swap3A_163] {strides = array<i32>} : memref<22x22xf32, #tpu.memory_space<vmem>>, vector<16xf32>,
      tpu.vector_store %arg6[%swap3A_162, %swap3A_163], %broadcast_in_dim3A_17 {strides = array<i32>} : memref<22x22xf32, #tpu.memory_space<vmem>>, vector<16xf32>,
      %swap3A_165 = arith.constant 18 : i32
      %swap3A_166 = arith.index_cast %swap3A_165 : i32 to index
      %swap3A_167 = arith.constant 6 : index
      %swap3A_168 = tpu.vector_load %arg6[%swap3A_166, %swap3A_167] {strides = array<i32>} : memref<22x22xf32, #tpu.memory_space<vmem>>, vector<16xf32>,
      tpu.vector_store %arg6[%swap3A_166, %swap3A_167], %broadcast_in_dim3A_17 {strides = array<i32>} : memref<22x22xf32, #tpu.memory_space<vmem>>, vector<16xf32>,
      %swap3A_169 = arith.constant 19 : i32
      %swap3A_170 = arith.index_cast %swap3A_169 : i32 to index
      %swap3A_171 = arith.constant 0 : index
      %swap3A_172 = tpu.vector_load %arg6[%swap3A_170, %swap3A_171] {strides = array<i32>} : memref<22x22xf32, #tpu.memory_space<vmem>>, vector<16xf32>,
      tpu.vector_store %arg6[%swap3A_170, %swap3A_171], %broadcast_in_dim3A_17 {strides = array<i32>} : memref<22x22xf32, #tpu.memory_space<vmem>>, vector<16xf32>,
      %swap3A_173 = arith.constant 19 : i32
      %swap3A_174 = arith.index_cast %swap3A_173 : i32 to index
      %swap3A_175 = arith.constant 6 : index
      %swap3A_176 = tpu.vector_load %arg6[%swap3A_174, %swap3A_175] {strides = array<i32>} : memref<22x22xf32, #tpu.memory_space<vmem>>, vector<16xf32>,
      tpu.vector_store %arg6[%swap3A_174, %swap3A_175], %broadcast_in_dim3A_17 {strides = array<i32>} : memref<22x22xf32, #tpu.memory_space<vmem>>, vector<16xf32>,
      %swap3A_177 = arith.constant 20 : i32
      %swap3A_178 = arith.index_cast %swap3A_177 : i32 to index
      %swap3A_179 = arith.constant 0 : index
      %swap3A_180 = tpu.vector_load %arg6[%swap3A_178, %swap3A_179] {strides = array<i32>} : memref<22x22xf32, #tpu.memory_space<vmem>>, vector<16xf32>,
      tpu.vector_store %arg6[%swap3A_178, %swap3A_179], %broadcast_in_dim3A_17 {strides = array<i32>} : memref<22x22xf32, #tpu.memory_space<vmem>>, vector<16xf32>,
      %swap3A_181 = arith.constant 20 : i32
      %swap3A_182 = arith.index_cast %swap3A_181 : i32 to index
      %swap3A_183 = arith.constant 6 : index
      %swap3A_184 = tpu.vector_load %arg6[%swap3A_182, %swap3A_183] {strides = array<i32>} : memref<22x22xf32, #tpu.memory_space<vmem>>, vector<16xf32>,
      tpu.vector_store %arg6[%swap3A_182, %swap3A_183], %broadcast_in_dim3A_17 {strides = array<i32>} : memref<22x22xf32, #tpu.memory_space<vmem>>, vector<16xf32>,
      %swap3A_185 = arith.constant 21 : i32
      %swap3A_186 = arith.index_cast %swap3A_185 : i32 to index
      %swap3A_187 = arith.constant 0 : index
      %swap3A_188 = tpu.vector_load %arg6[%swap3A_186, %swap3A_187] {strides = array<i32>} : memref<22x22xf32, #tpu.memory_space<vmem>>, vector<16xf32>,
      tpu.vector_store %arg6[%swap3A_186, %swap3A_187], %broadcast_in_dim3A_17 {strides = array<i32>} : memref<22x22xf32, #tpu.memory_space<vmem>>, vector<16xf32>,
      %swap3A_189 = arith.constant 21 : i32
      %swap3A_190 = arith.index_cast %swap3A_189 : i32 to index
      %swap3A_191 = arith.constant 6 : index
      %swap3A_192 = tpu.vector_load %arg6[%swap3A_190, %swap3A_191] {strides = array<i32>} : memref<22x22xf32, #tpu.memory_space<vmem>>, vector<16xf32>,
      tpu.vector_store %arg6[%swap3A_190, %swap3A_191], %broadcast_in_dim3A_17 {strides = array<i32>} : memref<22x22xf32, #tpu.memory_space<vmem>>, vector<16xf32>,
      %dma_wait3A = arith.constant 0 : i32
      %dma_wait3A_193 = arith.constant 0 : i32
      %dma_wait3A_194 = tpu.memref_slice %arg2[%dma_wait3A, %dma_wait3A_193] : memref<2x144xi32, #tpu.memory_space<hbm>> -> memref<1x144xi32, #tpu.memory_space<hbm>>
      %dma_wait3A_195 = tpu.memref_squeeze %dma_wait3A_194 : memref<1x144xi32, #tpu.memory_space<hbm>> -> memref<144xi32, #tpu.memory_space<hbm>>
      %dma_wait3A_196 = arith.constant 0 : i32
      %dma_wait3A_197 = tpu.memref_slice %arg2[%dma_wait3A, %dma_wait3A_196] : memref<2x144xi32, #tpu.memory_space<hbm>> -> memref<1x144xi32, #tpu.memory_space<hbm>>
      %dma_wait3A_198 = tpu.memref_squeeze %dma_wait3A_197 : memref<1x144xi32, #tpu.memory_space<hbm>> -> memref<144xi32, #tpu.memory_space<hbm>>
      tpu.wait_dma2 semaphore(%arg7 : memref<!tpu.dma_semaphore, #tpu.memory_space<semaphore_mem>>) src(%dma_wait3A_198 : memref<144xi32, #tpu.memory_space<hbm>>) dst(%arg4 : memref<144xi32, #tpu.memory_space<vmem>>)
      %dma_wait3A_199 = arith.constant 1 : i32
      %dma_wait3A_200 = arith.constant 0 : i32
      %dma_wait3A_201 = tpu.memref_slice %arg2[%dma_wait3A_199, %dma_wait3A_200] : memref<2x144xi32, #tpu.memory_space<hbm>> -> memref<1x144xi32, #tpu.memory_space<hbm>>
      %dma_wait3A_202 = tpu.memref_squeeze %dma_wait3A_201 : memref<1x144xi32, #tpu.memory_space<hbm>> -> memref<144xi32, #tpu.memory_space<hbm>>
      %dma_wait3A_203 = arith.constant 0 : i32
      %dma_wait3A_204 = tpu.memref_slice %arg2[%dma_wait3A_199, %dma_wait3A_203] : memref<2x144xi32, #tpu.memory_space<hbm>> -> memref<1x144xi32, #tpu.memory_space<hbm>>
      %dma_wait3A_205 = tpu.memref_squeeze %dma_wait3A_204 : memref<1x144xi32, #tpu.memory_space<hbm>> -> memref<144xi32, #tpu.memory_space<hbm>>
      tpu.wait_dma2 semaphore(%arg8 : memref<!tpu.dma_semaphore, #tpu.memory_space<semaphore_mem>>) src(%dma_wait3A_205 : memref<144xi32, #tpu.memory_space<hbm>>) dst(%arg5 : memref<144xi32, #tpu.memory_space<vmem>>)
      %broadcast_in_dim3A_206 = arith.constant 1.000000e+00 : f32
      %broadcast_in_dim3A_207 = vector.broadcast %broadcast_in_dim3A_206 : f32 to vector<16xf32>
      %iota3A = tpu.iota {dimensions = array<i32: 0>} : vector<16xi32>
      %get3A = arith.constant 0 : index
      %get3A_208 = tpu.vector_load %arg4[%get3A] {strides = array<i32>} : memref<144xi32, #tpu.memory_space<vmem>>, vector<16xi32>,
      %get3A_209 = arith.constant 0 : index
      %get3A_210 = tpu.vector_load %arg5[%get3A_209] {strides = array<i32>} : memref<144xi32, #tpu.memory_space<vmem>>, vector<16xi32>,
      tpu.vector_store_idx %arg6[%get3A_210, %get3A_208], %broadcast_in_dim3A_207 : memref<22x22xf32, #tpu.memory_space<vmem>>[vector<16xi32>, vector<16xi32>], vector<16xf32>,
      %get3A_211 = arith.constant 16 : index
      %get3A_212 = tpu.vector_load %arg4[%get3A_211] {strides = array<i32>} : memref<144xi32, #tpu.memory_space<vmem>>, vector<16xi32>,
      %get3A_213 = arith.constant 16 : index
      %get3A_214 = tpu.vector_load %arg5[%get3A_213] {strides = array<i32>} : memref<144xi32, #tpu.memory_space<vmem>>, vector<16xi32>,
      tpu.vector_store_idx %arg6[%get3A_214, %get3A_212], %broadcast_in_dim3A_207 : memref<22x22xf32, #tpu.memory_space<vmem>>[vector<16xi32>, vector<16xi32>], vector<16xf32>,
      %get3A_215 = arith.constant 32 : index
      %get3A_216 = tpu.vector_load %arg4[%get3A_215] {strides = array<i32>} : memref<144xi32, #tpu.memory_space<vmem>>, vector<16xi32>,
      %get3A_217 = arith.constant 32 : index
      %get3A_218 = tpu.vector_load %arg5[%get3A_217] {strides = array<i32>} : memref<144xi32, #tpu.memory_space<vmem>>, vector<16xi32>,
      tpu.vector_store_idx %arg6[%get3A_218, %get3A_216], %broadcast_in_dim3A_207 : memref<22x22xf32, #tpu.memory_space<vmem>>[vector<16xi32>, vector<16xi32>], vector<16xf32>,
      %get3A_219 = arith.constant 48 : index
      %get3A_220 = tpu.vector_load %arg4[%get3A_219] {strides = array<i32>} : memref<144xi32, #tpu.memory_space<vmem>>, vector<16xi32>,
      %get3A_221 = arith.constant 48 : index
      %get3A_222 = tpu.vector_load %arg5[%get3A_221] {strides = array<i32>} : memref<144xi32, #tpu.memory_space<vmem>>, vector<16xi32>,
      tpu.vector_store_idx %arg6[%get3A_222, %get3A_220], %broadcast_in_dim3A_207 : memref<22x22xf32, #tpu.memory_space<vmem>>[vector<16xi32>, vector<16xi32>], vector<16xf32>,
      %get3A_223 = arith.constant 64 : index
      %get3A_224 = tpu.vector_load %arg4[%get3A_223] {strides = array<i32>} : memref<144xi32, #tpu.memory_space<vmem>>, vector<16xi32>,
      %get3A_225 = arith.constant 64 : index
      %get3A_226 = tpu.vector_load %arg5[%get3A_225] {strides = array<i32>} : memref<144xi32, #tpu.memory_space<vmem>>, vector<16xi32>,
      tpu.vector_store_idx %arg6[%get3A_226, %get3A_224], %broadcast_in_dim3A_207 : memref<22x22xf32, #tpu.memory_space<vmem>>[vector<16xi32>, vector<16xi32>], vector<16xf32>,
      %get3A_227 = arith.constant 80 : index
      %get3A_228 = tpu.vector_load %arg4[%get3A_227] {strides = array<i32>} : memref<144xi32, #tpu.memory_space<vmem>>, vector<16xi32>,
      %get3A_229 = arith.constant 80 : index
      %get3A_230 = tpu.vector_load %arg5[%get3A_229] {strides = array<i32>} : memref<144xi32, #tpu.memory_space<vmem>>, vector<16xi32>,
      tpu.vector_store_idx %arg6[%get3A_230, %get3A_228], %broadcast_in_dim3A_207 : memref<22x22xf32, #tpu.memory_space<vmem>>[vector<16xi32>, vector<16xi32>], vector<16xf32>,
      %get3A_231 = arith.constant 96 : index
      %get3A_232 = tpu.vector_load %arg4[%get3A_231] {strides = array<i32>} : memref<144xi32, #tpu.memory_space<vmem>>, vector<16xi32>,
      %get3A_233 = arith.constant 96 : index
      %get3A_234 = tpu.vector_load %arg5[%get3A_233] {strides = array<i32>} : memref<144xi32, #tpu.memory_space<vmem>>, vector<16xi32>,
      tpu.vector_store_idx %arg6[%get3A_234, %get3A_232], %broadcast_in_dim3A_207 : memref<22x22xf32, #tpu.memory_space<vmem>>[vector<16xi32>, vector<16xi32>], vector<16xf32>,
      %get3A_235 = arith.constant 112 : index
      %get3A_236 = tpu.vector_load %arg4[%get3A_235] {strides = array<i32>} : memref<144xi32, #tpu.memory_space<vmem>>, vector<16xi32>,
      %get3A_237 = arith.constant 112 : index
      %get3A_238 = tpu.vector_load %arg5[%get3A_237] {strides = array<i32>} : memref<144xi32, #tpu.memory_space<vmem>>, vector<16xi32>,
      tpu.vector_store_idx %arg6[%get3A_238, %get3A_236], %broadcast_in_dim3A_207 : memref<22x22xf32, #tpu.memory_space<vmem>>[vector<16xi32>, vector<16xi32>], vector<16xf32>,
      %get3A_239 = arith.constant 128 : index
      %get3A_240 = tpu.vector_load %arg4[%get3A_239] {strides = array<i32>} : memref<144xi32, #tpu.memory_space<vmem>>, vector<16xi32>,
      %get3A_241 = arith.constant 128 : index
      %get3A_242 = tpu.vector_load %arg5[%get3A_241] {strides = array<i32>} : memref<144xi32, #tpu.memory_space<vmem>>, vector<16xi32>,
      tpu.vector_store_idx %arg6[%get3A_242, %get3A_240], %broadcast_in_dim3A_207 : memref<22x22xf32, #tpu.memory_space<vmem>>[vector<16xi32>, vector<16xi32>], vector<16xf32>,
      "tpu.region"() ({
        %run_scoped3A = tpu.sem_alloc : memref<!tpu.dma_semaphore, #tpu.memory_space<semaphore_mem>>
        tpu.enqueue_dma source(%arg6 : memref<22x22xf32, #tpu.memory_space<vmem>>) target(%arg3 : memref<22x22xf32, #tpu.memory_space<hbm>>) target_semaphore(%run_scoped3A : memref<!tpu.dma_semaphore, #tpu.memory_space<semaphore_mem>>)
        tpu.wait_dma2 semaphore(%run_scoped3A : memref<!tpu.dma_semaphore, #tpu.memory_space<semaphore_mem>>) src(%arg6 : memref<22x22xf32, #tpu.memory_space<vmem>>) dst(%arg3 : memref<22x22xf32, #tpu.memory_space<hbm>>)
        tpu.yield
      }) : () -> ()
    } else {
    }
    return
  }
}

module attributes {stable_mosaic.version = 14 : i64} {
  func.func @_tc_out_body(%arg0: memref<22x22xf32, #tpu.memory_space<vmem>>, %arg1: memref<22x256xf32, #tpu.memory_space<vmem>>, %arg2: memref<1x256xf32, #tpu.memory_space<vmem>>, %arg3: memref<64x256xf32, #tpu.memory_space<vmem>>, %arg4: memref<1x64xf32, #tpu.memory_space<vmem>>, %arg5: memref<22x64xf32, #tpu.memory_space<vmem>>) attributes {dimension_semantics = [], scalar_prefetch = 0 : i64, scratch_operands = 0 : i64, tpu.core_type = #tpu.core_type<tc>} {
    %get3A = arith.constant 0 : index
    %get3A_0 = arith.constant 0 : index
    %get3A_1 = vector.load %arg0[%get3A, %get3A_0] : memref<22x22xf32, #tpu.memory_space<vmem>>, vector<22x22xf32>
    %reduce_sum3A = arith.constant dense<0.000000e+00> : vector<22xf32>
    %reduce_sum3A_2 = vector.multi_reduction <add>, %get3A_1, %reduce_sum3A [1] : vector<22x22xf32> to vector<22xf32>
    %broadcast_in_dim3A = vector.shape_cast %reduce_sum3A_2 : vector<22xf32> to vector<22x1xf32>
    %gt3A = arith.constant 0.000000e+00 : f32
    %gt3A_3 = vector.broadcast %gt3A : f32 to vector<22x1xf32>
    %gt3A_4 = arith.cmpf ogt, %broadcast_in_dim3A, %gt3A_3 : vector<22x1xf32>
    %rsqrt3A = math.rsqrt %broadcast_in_dim3A : vector<22x1xf32>
    %jit3A = arith.constant 0.000000e+00 : f32
    %broadcast_in_dim3A_5 = vector.broadcast %jit3A : f32 to vector<22x1xf32>
    %select_n3A = arith.select %gt3A_4, %rsqrt3A, %broadcast_in_dim3A_5 : vector<22x1xi1>, vector<22x1xf32>
    %get3A_6 = arith.constant 0 : index
    %get3A_7 = arith.constant 0 : index
    %get3A_8 = vector.load %arg1[%get3A_6, %get3A_7] : memref<22x256xf32, #tpu.memory_space<vmem>>, vector<22x256xf32>
    %mul3A = vector.broadcast %select_n3A : vector<22x1xf32> to vector<22x256xf32>
    %mul3A_9 = arith.mulf %get3A_8, %mul3A : vector<22x256xf32>
    %dot_general3A = arith.constant dense<0.000000e+00> : vector<22x256xf32>
    %dot_general3A_10 = tpu.matmul %get3A_1, %mul3A_9, %dot_general3A {dimension_numbers = #tpu.dot_dimension_numbers<[1], [0], [0], [1], [0, 0, 1, 1], [], []>, transpose_lhs_hint = false} : vector<22x22xf32>, vector<22x256xf32>, vector<22x256xf32> -> vector<22x256xf32>
    %mul3A_11 = vector.broadcast %select_n3A : vector<22x1xf32> to vector<22x256xf32>
    %mul3A_12 = arith.mulf %dot_general3A_10, %mul3A_11 : vector<22x256xf32>
    %get3A_13 = arith.constant 0 : index
    %get3A_14 = arith.constant 0 : index
    %get3A_15 = vector.load %arg2[%get3A_13, %get3A_14] : memref<1x256xf32, #tpu.memory_space<vmem>>, vector<1x256xf32>
    %add3A = vector.broadcast %get3A_15 : vector<1x256xf32> to vector<22x256xf32>
    %add3A_16 = arith.addf %mul3A_12, %add3A : vector<22x256xf32>
    %gt3A_17 = arith.constant 0.000000e+00 : f32
    %gt3A_18 = vector.broadcast %gt3A_17 : f32 to vector<22x256xf32>
    %gt3A_19 = arith.cmpf ogt, %add3A_16, %gt3A_18 : vector<22x256xf32>
    %min3A = arith.constant 0.000000e+00 : f32
    %min3A_20 = vector.broadcast %min3A : f32 to vector<22x256xf32>
    %min3A_21 = arith.minimumf %add3A_16, %min3A_20 : vector<22x256xf32>
    %exp3A = math.exp %min3A_21 : vector<22x256xf32>
    %sub3A = arith.constant 1.000000e+00 : f32
    %sub3A_22 = vector.broadcast %sub3A : f32 to vector<22x256xf32>
    %sub3A_23 = arith.subf %exp3A, %sub3A_22 : vector<22x256xf32>
    %select_n3A_24 = arith.select %gt3A_19, %add3A_16, %sub3A_23 : vector<22x256xi1>, vector<22x256xf32>
    %get3A_25 = arith.constant 0 : index
    %get3A_26 = arith.constant 0 : index
    %get3A_27 = vector.load %arg3[%get3A_25, %get3A_26] : memref<64x256xf32, #tpu.memory_space<vmem>>, vector<64x256xf32>
    %dot_general3A_28 = arith.constant dense<0.000000e+00> : vector<22x64xf32>
    %dot_general3A_29 = tpu.matmul %select_n3A_24, %get3A_27, %dot_general3A_28 {dimension_numbers = #tpu.dot_dimension_numbers<[1], [1], [0], [0], [0, 0, 1, 0], [], []>, transpose_lhs_hint = false} : vector<22x256xf32>, vector<64x256xf32>, vector<22x64xf32> -> vector<22x64xf32>
    %get3A_30 = arith.constant 0 : index
    %get3A_31 = arith.constant 0 : index
    %get3A_32 = vector.load %arg4[%get3A_30, %get3A_31] : memref<1x64xf32, #tpu.memory_space<vmem>>, vector<1x64xf32>
    %add3A_33 = vector.broadcast %get3A_32 : vector<1x64xf32> to vector<22x64xf32>
    %add3A_34 = arith.addf %dot_general3A_29, %add3A_33 : vector<22x64xf32>
    %swap3A = arith.constant 0 : index
    %swap3A_35 = arith.constant 0 : index
    %swap3A_36 = vector.load %arg5[%swap3A, %swap3A_35] : memref<22x64xf32, #tpu.memory_space<vmem>>, vector<22x64xf32>
    tpu.vector_store %arg5[%swap3A, %swap3A_35], %add3A_34 {strides = array<i32>} : memref<22x64xf32, #tpu.memory_space<vmem>>, vector<22x64xf32>,
    return
  }
}

module attributes {stable_mosaic.version = 14 : i64} {
  func.func @_tc_h_body(%arg0: memref<22x1000xf32, #tpu.memory_space<vmem>>, %arg1: memref<256x1000xf32, #tpu.memory_space<vmem>>, %arg2: memref<64x256xf32, #tpu.memory_space<vmem>>, %arg3: memref<22x256xf32, #tpu.memory_space<vmem>>, %arg4: memref<64x256xf32, #tpu.memory_space<vmem>>) attributes {dimension_semantics = [], scalar_prefetch = 0 : i64, scratch_operands = 0 : i64, tpu.core_type = #tpu.core_type<tc>} {
    %get3A = arith.constant 0 : index
    %get3A_0 = arith.constant 0 : index
    %get3A_1 = vector.load %arg1[%get3A, %get3A_0] : memref<256x1000xf32, #tpu.memory_space<vmem>>, vector<256x1000xf32>
    %mul3A = arith.mulf %get3A_1, %get3A_1 : vector<256x1000xf32>
    %reduce_sum3A = arith.constant dense<0.000000e+00> : vector<1000xf32>
    %reduce_sum3A_2 = vector.multi_reduction <add>, %mul3A, %reduce_sum3A [0] : vector<256x1000xf32> to vector<1000xf32>
    %broadcast_in_dim3A = vector.shape_cast %reduce_sum3A_2 : vector<1000xf32> to vector<1x1000xf32>
    %sqrt3A = math.sqrt %broadcast_in_dim3A : vector<1x1000xf32>
    %gt3A = arith.constant 1.000000e+00 : f32
    %gt3A_3 = vector.broadcast %gt3A : f32 to vector<1x1000xf32>
    %gt3A_4 = arith.cmpf ogt, %sqrt3A, %gt3A_3 : vector<1x1000xf32>
    %add3A = arith.constant 1.000000e-07 : f32
    %add3A_5 = vector.broadcast %add3A : f32 to vector<1x1000xf32>
    %add3A_6 = arith.addf %sqrt3A, %add3A_5 : vector<1x1000xf32>
    %div3A = arith.constant 1.000000e+00 : f32
    %div3A_7 = vector.broadcast %div3A : f32 to vector<1x1000xf32>
    %div3A_8 = arith.divf %div3A_7, %add3A_6 : vector<1x1000xf32>
    %jit3A = arith.constant 1.000000e+00 : f32
    %broadcast_in_dim3A_9 = vector.broadcast %jit3A : f32 to vector<1x1000xf32>
    %select_n3A = arith.select %gt3A_4, %div3A_8, %broadcast_in_dim3A_9 : vector<1x1000xi1>, vector<1x1000xf32>
    %get3A_10 = arith.constant 0 : index
    %get3A_11 = arith.constant 0 : index
    %get3A_12 = vector.load %arg0[%get3A_10, %get3A_11] : memref<22x1000xf32, #tpu.memory_space<vmem>>, vector<22x1000xf32>
    %mul3A_13 = vector.broadcast %select_n3A : vector<1x1000xf32> to vector<22x1000xf32>
    %mul3A_14 = arith.mulf %get3A_12, %mul3A_13 : vector<22x1000xf32>
    %dot_general3A = arith.constant dense<0.000000e+00> : vector<22x256xf32>
    %dot_general3A_15 = tpu.matmul %mul3A_14, %get3A_1, %dot_general3A {dimension_numbers = #tpu.dot_dimension_numbers<[1], [1], [0], [0], [0, 0, 1, 0], [], []>, transpose_lhs_hint = false} : vector<22x1000xf32>, vector<256x1000xf32>, vector<22x256xf32> -> vector<22x256xf32>
    %swap3A = arith.constant 0 : index
    %swap3A_16 = arith.constant 0 : index
    %swap3A_17 = vector.load %arg3[%swap3A, %swap3A_16] : memref<22x256xf32, #tpu.memory_space<vmem>>, vector<22x256xf32>
    tpu.vector_store %arg3[%swap3A, %swap3A_16], %dot_general3A_15 {strides = array<i32>} : memref<22x256xf32, #tpu.memory_space<vmem>>, vector<22x256xf32>,
    %get3A_18 = arith.constant 0 : index
    %get3A_19 = arith.constant 0 : index
    %get3A_20 = vector.load %arg2[%get3A_18, %get3A_19] : memref<64x256xf32, #tpu.memory_space<vmem>>, vector<64x256xf32>
    %mul3A_21 = arith.mulf %get3A_20, %get3A_20 : vector<64x256xf32>
    %reduce_sum3A_22 = arith.constant dense<0.000000e+00> : vector<64xf32>
    %reduce_sum3A_23 = vector.multi_reduction <add>, %mul3A_21, %reduce_sum3A_22 [1] : vector<64x256xf32> to vector<64xf32>
    %broadcast_in_dim3A_24 = vector.shape_cast %reduce_sum3A_23 : vector<64xf32> to vector<64x1xf32>
    %sqrt3A_25 = math.sqrt %broadcast_in_dim3A_24 : vector<64x1xf32>
    %gt3A_26 = arith.constant 5.000000e-01 : f32
    %gt3A_27 = vector.broadcast %gt3A_26 : f32 to vector<64x1xf32>
    %gt3A_28 = arith.cmpf ogt, %sqrt3A_25, %gt3A_27 : vector<64x1xf32>
    %add3A_29 = arith.constant 1.000000e-07 : f32
    %add3A_30 = vector.broadcast %add3A_29 : f32 to vector<64x1xf32>
    %add3A_31 = arith.addf %sqrt3A_25, %add3A_30 : vector<64x1xf32>
    %div3A_32 = arith.constant 5.000000e-01 : f32
    %div3A_33 = vector.broadcast %div3A_32 : f32 to vector<64x1xf32>
    %div3A_34 = arith.divf %div3A_33, %add3A_31 : vector<64x1xf32>
    %jit3A_35 = arith.constant 1.000000e+00 : f32
    %broadcast_in_dim3A_36 = vector.broadcast %jit3A_35 : f32 to vector<64x1xf32>
    %select_n3A_37 = arith.select %gt3A_28, %div3A_34, %broadcast_in_dim3A_36 : vector<64x1xi1>, vector<64x1xf32>
    %mul3A_38 = vector.broadcast %select_n3A_37 : vector<64x1xf32> to vector<64x256xf32>
    %mul3A_39 = arith.mulf %get3A_20, %mul3A_38 : vector<64x256xf32>
    %swap3A_40 = arith.constant 0 : index
    %swap3A_41 = arith.constant 0 : index
    %swap3A_42 = vector.load %arg4[%swap3A_40, %swap3A_41] : memref<64x256xf32, #tpu.memory_space<vmem>>, vector<64x256xf32>
    tpu.vector_store %arg4[%swap3A_40, %swap3A_41], %mul3A_39 {strides = array<i32>} : memref<64x256xf32, #tpu.memory_space<vmem>>, vector<64x256xf32>,
    return
  }
}

</mosaic_0001>

<sc_bundles>
// kernel: kernel.5.cloned.1.call-start
scs
__scs_entry_jumppad:
0x0: {  	(pc) =	sbr.rel $0x88, $3  }
0x1: {  	(tag) =	ssettag $0x0;
	lr =	simm.s32 $0x1  }
0x2: {  	[smem:$0x3F9B] =	sst lr;
	_ =	strace $0xD0000000  }
0x3: {  	_ = 	snop  }
0x4: {  	_ = 	snop  }
0x5: {  	_ = 	snop  }
0x6: {  	_ = 	snop  }
0x7: {  	_ = 	snop  }
__scs_overlays_trampoline_lowered:
0x8: {  	[smem:$0x3FAA] =	sst s0  }
0x9: {  	[smem:$0x3FAB] =	sst s1  }
0xa: {  	[smem:$0x3FAC] =	sst s2  }
0xb: {  	[smem:$0x3FAD] =	sst s3  }
0xc: {  	[smem:$0x3FAE] =	sst s4  }
0xd: {  	[smem:$0x3FAF] =	sst s5  }
0xe: {  	[smem:$0x3FB0] =	sst s6  }
0xf: {  	[smem:$0x3FB1] =	sst s7  }
0x10: {  	[smem:$0x3FB2] =	sst s8  }
0x11: {  	[smem:$0x3FB3] =	sst s9;
	s0 =	simm.s32 @!p0 $0x0  }
0x12: {  	s1 =	sld [smem:$0x3F99];
	s0 =	simm.s32 @p0 $0x1  }
0x13: {  	[smem:$0x3FB4] =	sst s0;
	s0 =	simm.s32 @!p1 $0x0  }
0x14: {  	s2 =	sld [smem:$0x3F98];
	s0 =	simm.s32 @p1 $0x1  }
0x15: {  	[smem:$0x3FB5] =	sst s0;
	s0 =	simm.s32 @!p2 $0x0  }
0x16: {  	s3 =	sld [smem:$0x3FDB];
	s0 =	simm.s32 @p2 $0x1  }
0x17: {  	s4 =	simm.s32 $0x1BF5;
	[smem:$0x3FB7] =	sst s0  }
0x18: {  	s0 =	sld [smem:$0x3F9A];
	_ =	swait.ge [sflag:s4], $0x0  }
0x19: {  	s7 =	sld [smem:$0x3F9B]  }
0x1a: {  	s8 =	sadd.s32 $0xFFFFE003, lr  }
0x1b: {  	s9 =	sadd.s32 $0xFFFFFEF7, lr;
	s5 =	simm.s32 $0xFFFFFFFF;
	p2 =	slt.u32 s8, $0xFFFFF086  }
0x1c: {  	p1 =	slt.u32 s9, $0xF7A;
	s5 =	simm.s32 @!p2 $0x0  }
0x1d: {  	s5 =	simm.s32 @p1 $0x1;
	p0 =	seq.s32 s7, s2  }
0x1e: {  	s7 =	smul.u32 @!p0 $0xF7A, s2;
	p2 =	seq.s32 @!p0 s5, $0x0  }
0x1f: {  	s9 =	smul.u32 $0xF7A, s1;
	s8 =	simm.s32 @!p0 $0x1BF5;
	p2 =	por !p2, p0  }
0x20: {  	[sflag:s8] =	ssyncset.s32 @!p0 $0xFFFFF086;
	s6 =	sadd.s32 @!p0 s3, s7;
	s7 =	simm.s32 @!p0 $0x108  }
0x21: {  	s3 =	sadd.s32 s3, s9;
	s6 =	sadd.s32 @!p0 $0x88, s6;
	s7 =	simm.s32 @p2 $0x1082  }
0x22: {  	[simem:s7], [sflag:s8] =	dma.local @!p0 [hbm:s6], $0xF7A  }
0x23: {  	s9 =	sor.u32 $0xD0000000, s2;
	s6 =	simm.s32 $0x108;
	_ =	swait.ge @!p0 [sflag:s8], $0x0  }
0x24: {  	s3 =	sadd.s32 $0x88, s3;
	s6 =	simm.s32 @!p1 $0x1082;
	[sflag:s4] =	ssyncset.s32 $0xFFFFF086  }
0x25: {  	[simem:s6], [sflag:s4] =	dma.local [hbm:s3], $0xF7A  }
0x26: {  	[smem:$0x3F9B] =	sst s1;
	(tag) =	ssettag s2;
	_ =	strace s9  }
0x27: {  	s1 =	sld [smem:$0x3FAB]  }
0x28: {  	s2 =	sld [smem:$0x3FAC]  }
0x29: {  	s4 =	sld [smem:$0x3FAE]  }
0x2a: {  	p0 =	seq.s32 s5, $0x0;
	s5 =	sld [smem:$0x3FAF]  }
0x2b: {  	s6 =	sld [smem:$0x3FB0]  }
0x2c: {  	s7 =	sld [smem:$0x3FB1]  }
0x2d: {  	s3 =	simm.s32 $0x108;
	s8 =	sld [smem:$0x3FB2]  }
0x2e: {  	s3 =	simm.s32 @!p0 $0x1082;
	s9 =	sld [smem:$0x3FB3]  }
0x2f: {  	lr =	sadd.s32 s0, s3;
	s0 =	sld [smem:$0x3FAA]  }
0x30: {  	s3 =	sld [smem:$0x3FAD]  }
0x31: {  	[smem:$0x3FB6] =	sst s10  }
0x32: {  	s10 =	sld [smem:$0x3FB4];
	_ =	sdelay $0x3  }
0x33: {  	p0 =	seq.s32 s10, $0x1;
	s10 =	sld [smem:$0x3FB6];
	_ =	sdelay $0x3  }
0x34: {  	[smem:$0x3FB6] =	sst s10  }
0x35: {  	s10 =	sld [smem:$0x3FB5];
	_ =	sdelay $0x3  }
0x36: {  	p1 =	seq.s32 s10, $0x1;
	s10 =	sld [smem:$0x3FB6];
	_ =	sdelay $0x3  }
0x37: {  	[smem:$0x3FB6] =	sst s10  }
0x38: {  	s10 =	sld [smem:$0x3FB7]  }
0x39: {  	_ = 	snop;
	(pc) =	sbr.ind lr, $3  }
0x3a: {  	_ = 	snop  }
0x3b: {  	_ = 	snop  }
0x3c: {  	p2 =	seq.s32 s10, $0x1;
	s10 =	sld [smem:$0x3FB6]  }
0x3d: {  	_ =	shalt  }
0x3e: {  	_ =	shalt  }
0x3f: {  	_ =	shalt  }
0x40: {  	_ =	shalt  }
0x41: {  	_ =	shalt  }
0x42: {  	_ =	shalt  }
0x43: {  	_ =	shalt  }
0x44: {  	_ =	shalt  }
0x45: {  	_ =	shalt  }
0x46: {  	_ =	shalt  }
0x47: {  	_ =	shalt  }
0x48: {  	_ =	shalt  }
0x49: {  	_ =	shalt  }
0x4a: {  	_ =	shalt  }
0x4b: {  	_ =	shalt  }
0x4c: {  	_ =	shalt  }
0x4d: {  	_ =	shalt  }
0x4e: {  	_ =	shalt  }
0x4f: {  	_ =	shalt  }
0x50: {  	_ =	shalt  }
0x51: {  	_ =	shalt  }
0x52: {  	_ =	shalt  }
0x53: {  	_ =	shalt  }
0x54: {  	_ =	shalt  }
0x55: {  	_ =	shalt  }
0x56: {  	_ =	shalt  }
0x57: {  	_ =	shalt  }
0x58: {  	_ =	shalt  }
0x59: {  	_ =	shalt  }
0x5a: {  	_ =	shalt  }
0x5b: {  	_ =	shalt  }
0x5c: {  	_ =	shalt  }
0x5d: {  	_ =	shalt  }
0x5e: {  	_ =	shalt  }
0x5f: {  	_ =	shalt  }
0x60: {  	_ =	shalt  }
0x61: {  	_ =	shalt  }
0x62: {  	_ =	shalt  }
0x63: {  	_ =	shalt  }
0x64: {  	_ =	shalt  }
0x65: {  	_ =	shalt  }
0x66: {  	_ =	shalt  }
0x67: {  	_ =	shalt  }
0x68: {  	_ =	shalt  }
0x69: {  	_ =	shalt  }
0x6a: {  	_ =	shalt  }
0x6b: {  	_ =	shalt  }
0x6c: {  	_ =	shalt  }
0x6d: {  	_ =	shalt  }
0x6e: {  	_ =	shalt  }
0x6f: {  	_ =	shalt  }
0x70: {  	_ =	shalt  }
0x71: {  	_ =	shalt  }
0x72: {  	_ =	shalt  }
0x73: {  	_ =	shalt  }
0x74: {  	_ =	shalt  }
0x75: {  	_ =	shalt  }
0x76: {  	_ =	shalt  }
0x77: {  	_ =	shalt  }
0x78: {  	_ =	shalt  }
0x79: {  	_ =	shalt  }
0x7a: {  	_ =	shalt  }
0x7b: {  	_ =	shalt  }
0x7c: {  	_ =	shalt  }
0x7d: {  	_ =	shalt  }
0x7e: {  	_ =	shalt  }
0x7f: {  	_ =	shalt  }
0x80: {  	_ =	shalt  }
0x81: {  	_ =	shalt  }
0x82: {  	_ =	shalt  }
0x83: {  	_ =	shalt  }
0x84: {  	_ =	shalt  }
0x85: {  	_ =	shalt  }
0x86: {  	_ =	shalt  }
0x87: {  	_ =	shalt  }
.Lfunc_end0:
.L_simem_size_0:
called_computation_lowered:
.L_overlay_start_0:
0x88: {  	s0 =	sld [smem:$0x3FD9]  }
0x89: {  	s1 =	sld [smem:$0x3FFE];
	_ =	sdelay $0x3  }
0x8a: {  	s0 =	sadd.s32 s1, s0  }
0x8b: {  	[smem:$0x3FC2] =	sst s0  }
0x8c: {  	_ = 	snop  }
0x8d: {  	s0 =	sld [smem:$0x3FC4]  }
0x8e: {  	s17 =	sld [smem:$0x3FD0];
	(tm) =	ssettm $0x1  }
0x8f: {  	s2 =	sld [smem:$0x3FFB];
	_ =	sdelay $0x3  }
0x90: {  	_ =	strace s2  }
0x91: {  	s2 =	sld [smem:$0x3FFC];
	_ =	sdelay $0x3  }
0x92: {  	_ =	strace s2  }
0x93: {  	s2 =	sld [smem:$0x3FFD];
	_ =	sdelay $0x3  }
0x94: {  	_ =	strace s2  }
0x95: {  	_ =	strace $0x8FFFFFFF  }
0x96: {  	s18 =	sld [smem:$0x3FDB];
	_ =	sdelay $0x1  }
0x97: {  	s3 =	simm.s32 $_scs_section_size  }
0x98: {  	s4 =	simm.s32 $_size__tile_overlayer_lowered;
	s5 =	simm.s32 $_tile_overlayer_lowered  }
0x99: {  	s21 =	simm.s32 $0x1BFF;
	s20 =	sshll.u32 s5, $0x1;
	s2 =	sadd.s32 s3, s18  }
0x9a: {  	s6 =	simm.s32 $0x0;
	s19 =	sshll.u32 s4, $0x1;
	s4 =	sadd.s32 s20, s2  }
0x9b: {  	[timem:s6], [sflag:s21] =	dma.local [hbm:s4], s19  }
0x9c: {  	_ =	swait.ge [sflag:s21], s19  }
0x9d: {  	s3 =	ssub.s32 $0x0, s19;
	[sflag:s21] =	ssyncset.done $0x0  }
0x9e: {  	[sflag:s21] =	ssyncadd.s32 s3;
	_ =	sdelay $0x1  }
0x9f: {  	s22 =	simm.s32 $0x1B8B  }
0xa0: {  	_ =	swait.ge [sflag:s22], $0x1  }
0xa1: {  	[sflag:s22] =	ssyncset.done $0x0  }
0xa2: {  	s23 =	simm.s32 $0x1B8E;
	[sflag:s22] =	ssyncadd.s32 $0xFFFFFFFF  }
0xa3: {  	s24 =	simm.s32 $execute0_lowered;
	[smem:$0x3FD2] =	sst s23  }
0xa4: {  	s3 =	sshll.u32 s24, $0x1;
	_ =	strace $0x80000046;
	[dreg:$0x1] =	wrdreg $0xFFFFFFFF  }
0xa5: {  	s25 =	simm.s32 $_size_execute0_lowered;
	s2 =	sadd.s32 s2, s3;
	[dreg:$0x0] =	wrdreg $0x0  }
0xa6: {  	s3 =	sshll.u32 s25, $0x1;
	[dreg:$0x2] =	wrdreg s2  }
0xa7: {  	[dreg:$0x3] =	wrdreg s3  }
0xa8: {  	[dreg:$0x4] =	wrdreg $0xC0  }
0xa9: {  	_ =	task [dreg:s6], $0x5FFFF  }
0xaa: {  	[dreg:$0x1] =	wrdreg $0xFFFFFFFF  }
0xab: {  	[dreg:$0x0] =	wrdreg $0x60  }
0xac: {  	[dreg:$0x2] =	wrdreg s0  }
0xad: {  	[dreg:$0x3] =	wrdreg s17  }
0xae: {  	[dreg:$0x4] =	wrdreg $0x9  }
0xaf: {  	_ =	task.clear_ibuf [dreg:s6], $0x5FFFF;
	_ =	strace $0x90000046  }
0xb0: {  	s26 =	simm.s32 $0x9;
	_ =	strace $0x80000048  }
0xb1: {  	_ =	swait.ge [sflag:s26], $0x1  }
0xb2: {  	[sflag:s26] =	ssyncadd.s32 $0xFFFFFFFF  }
0xb3: {  	_ =	strace $0x90000048  }
0xb4: {  	_ =	sfence  }
0xb5: {  	s28 =	sld [smem:$0x0];
	_ =	sdelay $0x1  }
0xb6: {  	s29 =	srdreg.scid  }
0xb7: {  	s30 =	sshll.u32 s29, $0xD;
	s31 =	sshrl.u32 s29, $0x2  }
0xb8: {  	s1 =	sand.u32 $0x1, s29;
	s2 =	sand.u32 $0x4000, s30;
	s0 =	sadd.s32 s31, s28  }
0xb9: {  	s1 =	sor.u32 s2, s1;
	s0 =	sshll.u32 s0, $0x11  }
0xba: {  	s0 =	sor.u32 s0, s1  }
0xbb: {  	s0 =	sadd.s32 $0x8F2B, s0  }
0xbc: {  	[sflag:s0] =	ssyncadd.remote.s32 $0x1  }
0xbd: {  	_ =	sfence.sel $0xFFFF  }
0xbe: {  	[dreg:$0x0] =	wrdreg $0xFFFFFFFF;
	(pc) =	sbr.abs _section_cstart, $3  }
0xbf: {  	[dreg:$0x1] =	wrdreg $0xFFFFFFFF  }
0xc0: {  	_ =	task.clear_ibuf [dreg:s6], $0x2FFFF;
	_ =	strace $0x9FFFFFFF  }
0xc1: {  	(tm) =	ssettm $0x7FFFFFFF  }
tec
execute0_lowered:
.L_overlay_start_1:
0x0: {  	(tag) =	ssettag $0x1  }
0x1: {  	s3 =	rddreg [dreg:$0x0]  }
0x2: {  	s1 =	rddreg [dreg:$0x1];
	s2 =	simm.s32 $0x0  }
0x3: {  	s4 =	stileid.u32;
	[smem:$0x7FF] =	sst s2  }
0x4: {  	s0 =	rddreg [dreg:$0x2];
	p0 =	sne.s32 s4, $0x0;
	_ =	strace $0x80000047  }
0x5: {  	_ =	sfence.sel @p0 $0x180000  }
0x6: {  	[bflag:$0x0] =	sbarrier.arrive @p0 $0xFFFF  }
0x7: {  	_ =	strace @p0 $0x90000047  }
0x8: {  	[bflag:$0x2] =	sbarrier.arrive @p0 $0xFFFF  }
0x9: {  	_ =	shalt @p0  }
.LBB2_1:
0xa: {  	s4 =	simm.s32 $0x80;
	s5 =	simm.s32 $0x100  }
0xb: {  	[tilespmem:s2], [sflag:$0x1] =	stream.strided.gather [hbm4b:s3+s4], $0x100, s5, s4, $0x38;
	[tilespmem:$0xE00] =	vst v63  }
0xc: {  	s26 =	sadd.s32 $0x10, s3  }
0xd: {  	v0 =	vimm.f32 $0.0e+00;
	[tilespmem:s5], [sflag:$0x2] =	stream.strided.gather [hbm4b:s26+s4], $0x100, s5, s4, $0x38;
	[tilespmem:$0xE00] =	vst v63  }
0xe: {  	[tilespmem:$0x200] =	vst v0  }
0xf: {  	[tilespmem:$0x280] =	vst v0  }
0x10: {  	[tilespmem:$0x300] =	vst v0  }
0x11: {  	[tilespmem:$0x380] =	vst v0  }
0x12: {  	[tilespmem:$0x400] =	vst v0  }
0x13: {  	[tilespmem:$0x480] =	vst v0  }
0x14: {  	[tilespmem:$0x500] =	vst v0  }
0x15: {  	[tilespmem:$0x580] =	vst v0  }
0x16: {  	[tilespmem:$0x600] =	vst v0  }
0x17: {  	[tilespmem:$0x680] =	vst v0  }
0x18: {  	[tilespmem:$0x700] =	vst v0  }
0x19: {  	[tilespmem:$0x780] =	vst v0  }
0x1a: {  	[tilespmem:$0x800] =	vst v0  }
0x1b: {  	[tilespmem:$0x880] =	vst v0  }
0x1c: {  	[tilespmem:$0x900] =	vst v0  }
0x1d: {  	[tilespmem:$0x980] =	vst v0  }
0x1e: {  	[tilespmem:$0xA00] =	vst v0  }
0x1f: {  	[tilespmem:$0xA80] =	vst v0  }
0x20: {  	[tilespmem:$0xB00] =	vst v0  }
0x21: {  	[tilespmem:$0xB80] =	vst v0  }
0x22: {  	[tilespmem:$0xC00] =	vst v0  }
0x23: {  	[tilespmem:$0xC80] =	vst v0  }
0x24: {  	[tilespmem:$0x206] =	vst v0  }
0x25: {  	[tilespmem:$0x286] =	vst v0  }
0x26: {  	[tilespmem:$0x306] =	vst v0  }
0x27: {  	[tilespmem:$0x386] =	vst v0  }
0x28: {  	[tilespmem:$0x406] =	vst v0  }
0x29: {  	[tilespmem:$0x486] =	vst v0  }
0x2a: {  	[tilespmem:$0x506] =	vst v0  }
0x2b: {  	[tilespmem:$0x586] =	vst v0  }
0x2c: {  	[tilespmem:$0x606] =	vst v0  }
0x2d: {  	[tilespmem:$0x686] =	vst v0  }
0x2e: {  	[tilespmem:$0x706] =	vst v0  }
0x2f: {  	[tilespmem:$0x786] =	vst v0  }
0x30: {  	[tilespmem:$0x806] =	vst v0  }
0x31: {  	[tilespmem:$0x886] =	vst v0  }
0x32: {  	[tilespmem:$0x906] =	vst v0  }
0x33: {  	[tilespmem:$0x986] =	vst v0  }
0x34: {  	[tilespmem:$0xA06] =	vst v0  }
0x35: {  	[tilespmem:$0xA86] =	vst v0  }
0x36: {  	[tilespmem:$0xB06] =	vst v0  }
0x37: {  	[tilespmem:$0xB86] =	vst v0  }
0x38: {  	[tilespmem:$0xC06] =	vst v0  }
0x39: {  	s28 =	simm.s32 $0x1;
	[tilespmem:$0xC86] =	vst v0  }
0x3a: {  	_ =	swait.ge [sflag:s28], $0x100  }
0x3b: {  	[sflag:s28] =	ssyncset.done $0x0  }
0x3c: {  	s29 =	simm.s32 $0x2;
	[sflag:s28] =	ssyncadd.s32 $0xFFFFFF00  }
0x3d: {  	_ =	swait.ge [sflag:s29], $0x100  }
0x3e: {  	[sflag:s29] =	ssyncset.done $0x0  }
0x3f: {  	[sflag:s29] =	ssyncadd.s32 $0xFFFFFF00  }
0x40: {  	v47 =	vld [tilespmem:$0x0]  }
0x41: {  	v1 =	vld [tilespmem:$0x100];
	_ =	sdelay $0x4  }
0x42: {  	v2 =	vand.u32 $0xFFFFFF80, v47;
	v1 =	vshll.u32 v1, $0x7  }
0x43: {  	v0 =	vand.u32 $0x7F, v47;
	v1 =	vadd.s32 v2, v1  }
0x44: {  	v0 =	vor.u32 v0, v1;
	_ =	sdelay $0x3  }
0x45: {  	v48 =	vimm.f32 $1.000000000e+00;
	s30 =	simm.s32 $0x200  }
0x46: {  	[tilespmem:v0+s30+$0x0] =	vst.idx.msk $0xffff, v48  }
0x47: {  	v0 =	vld [tilespmem:$0x10]  }
0x48: {  	v49 =	vld [tilespmem:$0x110];
	_ =	sdelay $0x4  }
0x49: {  	v3 =	vand.u32 $0xFFFFFF80, v0;
	v2 =	vshll.u32 v49, $0x7  }
0x4a: {  	v0 =	vand.u32 $0x7F, v0;
	v2 =	vadd.s32 v3, v2  }
0x4b: {  	v0 =	vor.u32 v0, v2;
	_ =	sdelay $0x4  }
0x4c: {  	[tilespmem:v0+s30+$0x0] =	vst.idx.msk $0xffff, v48  }
0x4d: {  	v0 =	vld [tilespmem:$0x20]  }
0x4e: {  	v50 =	vld [tilespmem:$0x120];
	_ =	sdelay $0x4  }
0x4f: {  	v51 =	vand.u32 $0xFFFFFF80, v0;
	v2 =	vshll.u32 v50, $0x7  }
0x50: {  	v0 =	vand.u32 $0x7F, v0;
	v2 =	vadd.s32 v51, v2  }
0x51: {  	v0 =	vor.u32 v0, v2;
	_ =	sdelay $0x4  }
0x52: {  	[tilespmem:v0+s30+$0x0] =	vst.idx.msk $0xffff, v48  }
0x53: {  	v0 =	vld [tilespmem:$0x30]  }
0x54: {  	v52 =	vld [tilespmem:$0x130];
	_ =	sdelay $0x4  }
0x55: {  	v53 =	vand.u32 $0xFFFFFF80, v0;
	v2 =	vshll.u32 v52, $0x7  }
0x56: {  	v0 =	vand.u32 $0x7F, v0;
	v2 =	vadd.s32 v53, v2  }
0x57: {  	v0 =	vor.u32 v0, v2;
	_ =	sdelay $0x4  }
0x58: {  	[tilespmem:v0+s30+$0x0] =	vst.idx.msk $0xffff, v48  }
0x59: {  	v0 =	vld [tilespmem:$0x40]  }
0x5a: {  	v54 =	vld [tilespmem:$0x140];
	_ =	sdelay $0x4  }
0x5b: {  	v55 =	vand.u32 $0xFFFFFF80, v0;
	v2 =	vshll.u32 v54, $0x7  }
0x5c: {  	v0 =	vand.u32 $0x7F, v0;
	v2 =	vadd.s32 v55, v2  }
0x5d: {  	v0 =	vor.u32 v0, v2;
	_ =	sdelay $0x4  }
0x5e: {  	[tilespmem:v0+s30+$0x0] =	vst.idx.msk $0xffff, v48  }
0x5f: {  	v0 =	vld [tilespmem:$0x50]  }
0x60: {  	v56 =	vld [tilespmem:$0x150];
	_ =	sdelay $0x4  }
0x61: {  	v57 =	vand.u32 $0xFFFFFF80, v0;
	v2 =	vshll.u32 v56, $0x7  }
0x62: {  	v0 =	vand.u32 $0x7F, v0;
	v2 =	vadd.s32 v57, v2  }
0x63: {  	v0 =	vor.u32 v0, v2;
	_ =	sdelay $0x4  }
0x64: {  	[tilespmem:v0+s30+$0x0] =	vst.idx.msk $0xffff, v48  }
0x65: {  	v0 =	vld [tilespmem:$0x60]  }
0x66: {  	v58 =	vld [tilespmem:$0x160];
	_ =	sdelay $0x4  }
0x67: {  	v59 =	vand.u32 $0xFFFFFF80, v0;
	v2 =	vshll.u32 v58, $0x7  }
0x68: {  	v0 =	vand.u32 $0x7F, v0;
	v2 =	vadd.s32 v59, v2  }
0x69: {  	v0 =	vor.u32 v0, v2;
	_ =	sdelay $0x4  }
0x6a: {  	[tilespmem:v0+s30+$0x0] =	vst.idx.msk $0xffff, v48  }
0x6b: {  	v0 =	vld [tilespmem:$0x70]  }
0x6c: {  	v60 =	vld [tilespmem:$0x170];
	_ =	sdelay $0x4  }
0x6d: {  	v61 =	vand.u32 $0xFFFFFF80, v0;
	v2 =	vshll.u32 v60, $0x7  }
0x6e: {  	v0 =	vand.u32 $0x7F, v0;
	v2 =	vadd.s32 v61, v2  }
0x6f: {  	v0 =	vor.u32 v0, v2;
	_ =	sdelay $0x4  }
0x70: {  	[tilespmem:v0+s30+$0x0] =	vst.idx.msk $0xffff, v48  }
0x71: {  	v0 =	vld [tilespmem:$0x80]  }
0x72: {  	v62 =	vld [tilespmem:$0x180];
	_ =	sdelay $0x4  }
0x73: {  	v63 =	vand.u32 $0xFFFFFF80, v0;
	v2 =	vshll.u32 v62, $0x7  }
0x74: {  	v0 =	vand.u32 $0x7F, v0;
	v2 =	vadd.s32 v63, v2  }
0x75: {  	v0 =	vor.u32 v0, v2;
	_ =	sdelay $0x4  }
0x76: {  	s31 =	simm.s32 $0x3;
	[tilespmem:v0+s30+$0x0] =	vst.idx.msk $0xffff, v48  }
0x77: {  	[hbm4b:s1+s2] =	stream.linear.scatter [tilespmem:s30], [sflag:$0x3], $0xB00, $0x38;
	[tilespmem:$0xE00] =	vst v63  }
0x78: {  	_ =	swait.ge [sflag:s31], $0xB00  }
0x79: {  	[sflag:s31] =	ssyncset.done $0x0  }
0x7a: {  	[sflag:s31] =	ssyncadd.s32 $0xFFFFF500  }
0x7b: {  	_ =	sfence.sel $0x180000  }
0x7c: {  	[bflag:$0x0] =	sbarrier.arrive $0xFFFF  }
0x7d: {  	_ =	strace $0x90000047  }
0x7e: {  	s0 =	sadd.s32 $0x100000, s0;
	[bflag:$0x2] =	sbarrier.arrive $0xFFFF  }
0x7f: {  	[sflag:s0] =	ssyncadd.tile.s32 $0x1;
	_ =	shalt  }
.Lfunc_end2:
_tile_overlayer_lowered:
.L_overlay_start_2:
0x80: {  	(tag) =	ssettag $0x2  }
0x81: {  	s0 =	rddreg [dreg:$0x0];
	s2 =	stileid.u32  }
0x82: {  	s1 =	rddreg [dreg:$0x1];
	p0 =	sne.s32 s2, $0x0  }
0x83: {  	s3 =	rddreg [dreg:$0x2];
	[bflag:$0x3] =	sbarrier.arrive $0xFFFF;
	s2 =	simm.s32 @!p0 $0x1C03  }
0x84: {  	[timem:s3], [sflag:s2] =	dma.local @!p0 [hbm:s0], s1  }
0x85: {  	s0 =	simm.s32 @!p0 $0x3  }
0x86: {  	_ =	swait.ge @!p0 [sflag:s0], s1  }
0x87: {  	s1 =	ssub.s32 @!p0 $0x0, s1;
	[sflag:s0] =	ssyncset.done @!p0 $0x0  }
0x88: {  	[sflag:s0] =	ssyncadd.s32 @!p0 s1  }
0x89: {  	[bflag:$0x3] =	sbarrier.arrive $0xFFFF  }
0x8a: {  	_ =	shalt  }

</sc_bundles>
